<compile_context>
chip_gen: v7x
topology: tpu7x:2x2x1
jax: 0.10.2.dev20260603
libtpu: 0.0.44.dev20260713+nightly
codegen_flags: <defaults>
</compile_context>

<pallas_src>
import functools

import jax
import jax.numpy as jnp
from jax import lax
from jax.experimental import pallas as pl
from jax.experimental.pallas import tpu as pltpu
from jax.experimental.pallas import tpu_sc as plsc

N = 16384
V, D = 48, 3
LANES = 16
NUM_CORES = 2
NUM_SUBCORES = 16
NW = NUM_CORES * NUM_SUBCORES
CHUNK = N // NW
STEPS = CHUNK // LANES

_mesh = plsc.VectorSubcoreMesh(core_axis_name="c", subcore_axis_name="s")


@functools.partial(
    pl.kernel,
    mesh=_mesh,
    out_type=jax.ShapeDtypeStruct((N, D), jnp.float32),
    compiler_params=pltpu.CompilerParams(needs_layout_passes=False),
    scratch_types=[
        pltpu.VMEM((CHUNK,), jnp.int32),
        pltpu.VMEM((V * D,), jnp.float32),
        pltpu.VMEM((CHUNK, D), jnp.float32),
        pltpu.SemaphoreType.DMA,
        pltpu.SemaphoreType.DMA,
        pltpu.SemaphoreType.DMA,
        pltpu.SemaphoreType.DMA,
        pltpu.SemaphoreType.DMA,
    ],
)
def _emb_lookup(x_hbm, w_hbm, out_hbm, idx_v, w_v, out_v,
                sem_w, sem_x1, sem_x2, sem_o1, sem_o2):
    wid = lax.axis_index("s") * NUM_CORES + lax.axis_index("c")
    base = wid * CHUNK
    half = CHUNK // 2
    cp_w = pltpu.async_copy(w_hbm, w_v, sem_w)
    cp_x1 = pltpu.async_copy(x_hbm.at[pl.ds(base, half)],
                             idx_v.at[pl.ds(0, half)], sem_x1)
    cp_x2 = pltpu.async_copy(x_hbm.at[pl.ds(base + half, half)],
                             idx_v.at[pl.ds(half, half)], sem_x2)
    lane = lax.iota(jnp.int32, LANES)

    cols = [jnp.full((LANES,), c, jnp.int32) for c in range(D)]

    def steps(lo, hi):
        def body(j, _):
            xv = idx_v[pl.ds(j * LANES, LANES)]
            fx = xv * D
            rows = lane + (j * LANES)
            for c in range(D):
                vals = plsc.load_gather(w_v, [fx + c])
                plsc.store_scatter(out_v, [rows, cols[c]], vals)
            return 0
        lax.fori_loop(lo, hi, body, 0)

    cp_w.wait()
    cp_x1.wait()
    steps(0, STEPS // 2)
    cp_o1 = pltpu.async_copy(out_v.at[pl.ds(0, half)],
                             out_hbm.at[pl.ds(base, half)], sem_o1)
    cp_x2.wait()
    steps(STEPS // 2, STEPS)
    cp_o2 = pltpu.async_copy(out_v.at[pl.ds(half, half)],
                             out_hbm.at[pl.ds(base + half, half)], sem_o2)
    cp_o1.wait()
    cp_o2.wait()


def kernel(x, weight):
    return _emb_lookup(x, weight.reshape(-1))

# --- scband reference (transcript-rebuilt; emitter-appended) ---
"""Pipeline reference for scband-model-28037546508609 (READ-ONLY COPY).

The authoritative reference and input builder live on the scoring server;
editing this copy changes nothing except your own understanding.
"""

import jax, jax.numpy as jnp
import numpy as np

def setup_inputs(seed: int = 0) -> dict:
    key = jax.random.key(seed)
    x = jax.random.randint(key, (16384,), 0, 48, dtype=jnp.int64) if jax.config.jax_enable_x64 else jax.random.randint(key, (16384,), 0, 48, dtype=jnp.int32)
    # weight initialized to zeros, matching torch.tensor(np.zeros((24*2, 3)))
    weight = jnp.zeros((48, 3), dtype=jnp.float32)
    return {"x": x, "weight": weight}

def reference(x, weight):
    # faithful translation of forward: self.weight[x]
    return jnp.take(weight, x, axis=0)

if __name__ == "__main__":
    import jax
    _d = setup_inputs()
    print(jax.jit(kernel)(*tuple(_d.values())))

</pallas_src>

<mosaic_0001>
#map = affine_map<(d0, d1) -> (0)>
#map1 = affine_map<(d0, d1) -> (0, 0)>
module attributes {stable_mosaic.version = 14 : i64} {
  func.func @_emb_lookup(%arg0: i32, %arg1: i32, %arg2: memref<16384xi32, #tpu.memory_space<hbm>>, %arg3: memref<144xf32, #tpu.memory_space<hbm>>, %arg4: memref<16384x3xf32, #tpu.memory_space<hbm>>, %arg5: memref<512xi32, #tpu.memory_space<vmem>>, %arg6: memref<144xf32, #tpu.memory_space<vmem>>, %arg7: memref<512x3xf32, #tpu.memory_space<vmem>>, %arg8: memref<!tpu.dma_semaphore, #tpu.memory_space<semaphore_mem>>, %arg9: memref<!tpu.dma_semaphore, #tpu.memory_space<semaphore_mem>>, %arg10: memref<!tpu.dma_semaphore, #tpu.memory_space<semaphore_mem>>, %arg11: memref<!tpu.dma_semaphore, #tpu.memory_space<semaphore_mem>>, %arg12: memref<!tpu.dma_semaphore, #tpu.memory_space<semaphore_mem>>) attributes {dimension_semantics = [#tpu.dimension_semantics<core_parallel>, #tpu.dimension_semantics<subcore_parallel>], iteration_bounds = array<i64: 2, 16>, scalar_prefetch = 0 : i64, scratch_operands = 8 : i64, tpu.core_type = #tpu.core_type<sc_vector_subcore>, window_params = [{transform_indices = #map}, {transform_indices = #map}, {transform_indices = #map1}]} {
    %mul3A = arith.constant 2 : i32
    %mul3A_0 = arith.muli %arg1, %mul3A : i32
    %add3A = arith.addi %mul3A_0, %arg0 : i32
    %mul3A_1 = arith.constant 512 : i32
    %mul3A_2 = arith.muli %add3A, %mul3A_1 : i32
    tpu.enqueue_dma source(%arg3 : memref<144xf32, #tpu.memory_space<hbm>>) target(%arg6 : memref<144xf32, #tpu.memory_space<vmem>>) target_semaphore(%arg8 : memref<!tpu.dma_semaphore, #tpu.memory_space<semaphore_mem>>)
    %dma_start3A = arith.constant 0 : i32
    %dma_start3A_3 = tpu.memref_slice %arg5[%dma_start3A] : memref<512xi32, #tpu.memory_space<vmem>> -> memref<256xi32, #tpu.memory_space<vmem>>
    %dma_start3A_4 = tpu.memref_slice %arg2[%mul3A_2] : memref<16384xi32, #tpu.memory_space<hbm>> -> memref<256xi32, #tpu.memory_space<hbm>>
    %dma_start3A_5 = arith.constant 0 : i32
    %dma_start3A_6 = tpu.memref_slice %arg5[%dma_start3A_5] : memref<512xi32, #tpu.memory_space<vmem>> -> memref<256xi32, #tpu.memory_space<vmem>>
    %dma_start3A_7 = tpu.memref_slice %arg2[%mul3A_2] : memref<16384xi32, #tpu.memory_space<hbm>> -> memref<256xi32, #tpu.memory_space<hbm>>
    tpu.enqueue_dma source(%dma_start3A_7 : memref<256xi32, #tpu.memory_space<hbm>>) target(%dma_start3A_6 : memref<256xi32, #tpu.memory_space<vmem>>) target_semaphore(%arg9 : memref<!tpu.dma_semaphore, #tpu.memory_space<semaphore_mem>>)
    %add3A_8 = arith.constant 256 : i32
    %add3A_9 = arith.addi %mul3A_2, %add3A_8 : i32
    %dma_start3A_10 = arith.constant 256 : i32
    %dma_start3A_11 = tpu.memref_slice %arg5[%dma_start3A_10] : memref<512xi32, #tpu.memory_space<vmem>> -> memref<256xi32, #tpu.memory_space<vmem>>
    %dma_start3A_12 = tpu.memref_slice %arg2[%add3A_9] : memref<16384xi32, #tpu.memory_space<hbm>> -> memref<256xi32, #tpu.memory_space<hbm>>
    %dma_start3A_13 = arith.constant 256 : i32
    %dma_start3A_14 = tpu.memref_slice %arg5[%dma_start3A_13] : memref<512xi32, #tpu.memory_space<vmem>> -> memref<256xi32, #tpu.memory_space<vmem>>
    %dma_start3A_15 = tpu.memref_slice %arg2[%add3A_9] : memref<16384xi32, #tpu.memory_space<hbm>> -> memref<256xi32, #tpu.memory_space<hbm>>
    tpu.enqueue_dma source(%dma_start3A_15 : memref<256xi32, #tpu.memory_space<hbm>>) target(%dma_start3A_14 : memref<256xi32, #tpu.memory_space<vmem>>) target_semaphore(%arg10 : memref<!tpu.dma_semaphore, #tpu.memory_space<semaphore_mem>>)
    %iota3A = tpu.iota {dimensions = array<i32: 0>} : vector<16xi32>
    %broadcast_in_dim3A = arith.constant 0 : i32
    %broadcast_in_dim3A_16 = vector.broadcast %broadcast_in_dim3A : i32 to vector<16xi32>
    %broadcast_in_dim3A_17 = arith.constant 1 : i32
    %broadcast_in_dim3A_18 = vector.broadcast %broadcast_in_dim3A_17 : i32 to vector<16xi32>
    %broadcast_in_dim3A_19 = arith.constant 2 : i32
    %broadcast_in_dim3A_20 = vector.broadcast %broadcast_in_dim3A_19 : i32 to vector<16xi32>
    tpu.wait_dma2 semaphore(%arg8 : memref<!tpu.dma_semaphore, #tpu.memory_space<semaphore_mem>>) src(%arg3 : memref<144xf32, #tpu.memory_space<hbm>>) dst(%arg6 : memref<144xf32, #tpu.memory_space<vmem>>)
    %dma_wait3A = arith.constant 0 : i32
    %dma_wait3A_21 = tpu.memref_slice %arg5[%dma_wait3A] : memref<512xi32, #tpu.memory_space<vmem>> -> memref<256xi32, #tpu.memory_space<vmem>>
    %dma_wait3A_22 = tpu.memref_slice %arg2[%mul3A_2] : memref<16384xi32, #tpu.memory_space<hbm>> -> memref<256xi32, #tpu.memory_space<hbm>>
    %dma_wait3A_23 = arith.constant 0 : i32
    %dma_wait3A_24 = tpu.memref_slice %arg5[%dma_wait3A_23] : memref<512xi32, #tpu.memory_space<vmem>> -> memref<256xi32, #tpu.memory_space<vmem>>
    %dma_wait3A_25 = tpu.memref_slice %arg2[%mul3A_2] : memref<16384xi32, #tpu.memory_space<hbm>> -> memref<256xi32, #tpu.memory_space<hbm>>
    tpu.wait_dma2 semaphore(%arg9 : memref<!tpu.dma_semaphore, #tpu.memory_space<semaphore_mem>>) src(%dma_wait3A_25 : memref<256xi32, #tpu.memory_space<hbm>>) dst(%dma_wait3A_24 : memref<256xi32, #tpu.memory_space<vmem>>)
    %scan3A = arith.constant 0 : i32
    %scan3A_26 = arith.constant 0 : i32
    %scan3A_27 = arith.constant 16 : i32
    %scan3A_28 = arith.addi %scan3A_26, %scan3A_27 : i32
    %scan3A_29 = arith.constant 1 : i32
    %scan3A_30 = scf.for %scan3A_87 = %scan3A_26 to %scan3A_28 step %scan3A_29 iter_args(%scan3A_88 = %scan3A) -> (i32)  : i32 {
      %mul3A_89 = arith.constant 16 : i32
      %mul3A_90 = arith.muli %scan3A_87, %mul3A_89 : i32
      %get3A = arith.index_cast %mul3A_90 : i32 to index
      %get3A_91 = tpu.vector_load %arg5[%get3A] {strides = array<i32>} : memref<512xi32, #tpu.memory_space<vmem>>, vector<16xi32>,
      %mul3A_92 = arith.constant 3 : i32
      %mul3A_93 = vector.broadcast %mul3A_92 : i32 to vector<16xi32>
      %mul3A_94 = arith.muli %get3A_91, %mul3A_93 : vector<16xi32>
      %mul3A_95 = arith.constant 16 : i32
      %mul3A_96 = arith.muli %scan3A_87, %mul3A_95 : i32
      %add3A_97 = vector.broadcast %mul3A_96 : i32 to vector<16xi32>
      %add3A_98 = arith.addi %iota3A, %add3A_97 : vector<16xi32>
      %add3A_99 = arith.constant 0 : i32
      %add3A_100 = vector.broadcast %add3A_99 : i32 to vector<16xi32>
      %add3A_101 = arith.addi %mul3A_94, %add3A_100 : vector<16xi32>
      %gather3A = tpu.vector_load_idx %arg6[%add3A_101] : memref<144xf32, #tpu.memory_space<vmem>>[vector<16xi32>], vector<16xf32>,
      tpu.vector_store_idx %arg7[%add3A_98, %broadcast_in_dim3A_16], %gather3A : memref<512x3xf32, #tpu.memory_space<vmem>>[vector<16xi32>, vector<16xi32>], vector<16xf32>,
      %add3A_102 = arith.constant 1 : i32
      %add3A_103 = vector.broadcast %add3A_102 : i32 to vector<16xi32>
      %add3A_104 = arith.addi %mul3A_94, %add3A_103 : vector<16xi32>
      %gather3A_105 = tpu.vector_load_idx %arg6[%add3A_104] : memref<144xf32, #tpu.memory_space<vmem>>[vector<16xi32>], vector<16xf32>,
      tpu.vector_store_idx %arg7[%add3A_98, %broadcast_in_dim3A_18], %gather3A_105 : memref<512x3xf32, #tpu.memory_space<vmem>>[vector<16xi32>, vector<16xi32>], vector<16xf32>,
      %add3A_106 = arith.constant 2 : i32
      %add3A_107 = vector.broadcast %add3A_106 : i32 to vector<16xi32>
      %add3A_108 = arith.addi %mul3A_94, %add3A_107 : vector<16xi32>
      %gather3A_109 = tpu.vector_load_idx %arg6[%add3A_108] : memref<144xf32, #tpu.memory_space<vmem>>[vector<16xi32>], vector<16xf32>,
      tpu.vector_store_idx %arg7[%add3A_98, %broadcast_in_dim3A_20], %gather3A_109 : memref<512x3xf32, #tpu.memory_space<vmem>>[vector<16xi32>, vector<16xi32>], vector<16xf32>,
      %scan3A_110 = arith.constant 0 : i32
      scf.yield %scan3A_110 : i32
    }
    %scan3A_31 = arith.constant 16 : i32
    %dma_start3A_32 = arith.constant 0 : i32
    %dma_start3A_33 = arith.constant 0 : i32
    %dma_start3A_34 = tpu.memref_slice %arg7[%dma_start3A_32, %dma_start3A_33] : memref<512x3xf32, #tpu.memory_space<vmem>> -> memref<256x3xf32, #tpu.memory_space<vmem>>
    %dma_start3A_35 = arith.constant 0 : i32
    %dma_start3A_36 = tpu.memref_slice %arg4[%mul3A_2, %dma_start3A_35] : memref<16384x3xf32, #tpu.memory_space<hbm>> -> memref<256x3xf32, #tpu.memory_space<hbm>>
    %dma_start3A_37 = arith.constant 0 : i32
    %dma_start3A_38 = tpu.memref_slice %arg4[%mul3A_2, %dma_start3A_37] : memref<16384x3xf32, #tpu.memory_space<hbm>> -> memref<256x3xf32, #tpu.memory_space<hbm>>
    %dma_start3A_39 = arith.constant 0 : i32
    %dma_start3A_40 = arith.constant 0 : i32
    %dma_start3A_41 = tpu.memref_slice %arg7[%dma_start3A_39, %dma_start3A_40] : memref<512x3xf32, #tpu.memory_space<vmem>> -> memref<256x3xf32, #tpu.memory_space<vmem>>
    tpu.enqueue_dma source(%dma_start3A_41 : memref<256x3xf32, #tpu.memory_space<vmem>>) target(%dma_start3A_38 : memref<256x3xf32, #tpu.memory_space<hbm>>) target_semaphore(%arg11 : memref<!tpu.dma_semaphore, #tpu.memory_space<semaphore_mem>>)
    %dma_wait3A_42 = arith.constant 256 : i32
    %dma_wait3A_43 = tpu.memref_slice %arg5[%dma_wait3A_42] : memref<512xi32, #tpu.memory_space<vmem>> -> memref<256xi32, #tpu.memory_space<vmem>>
    %dma_wait3A_44 = tpu.memref_slice %arg2[%add3A_9] : memref<16384xi32, #tpu.memory_space<hbm>> -> memref<256xi32, #tpu.memory_space<hbm>>
    %dma_wait3A_45 = arith.constant 256 : i32
    %dma_wait3A_46 = tpu.memref_slice %arg5[%dma_wait3A_45] : memref<512xi32, #tpu.memory_space<vmem>> -> memref<256xi32, #tpu.memory_space<vmem>>
    %dma_wait3A_47 = tpu.memref_slice %arg2[%add3A_9] : memref<16384xi32, #tpu.memory_space<hbm>> -> memref<256xi32, #tpu.memory_space<hbm>>
    tpu.wait_dma2 semaphore(%arg10 : memref<!tpu.dma_semaphore, #tpu.memory_space<semaphore_mem>>) src(%dma_wait3A_47 : memref<256xi32, #tpu.memory_space<hbm>>) dst(%dma_wait3A_46 : memref<256xi32, #tpu.memory_space<vmem>>)
    %scan3A_48 = arith.constant 0 : i32
    %scan3A_49 = arith.constant 16 : i32
    %scan3A_50 = arith.constant 16 : i32
    %scan3A_51 = arith.addi %scan3A_49, %scan3A_50 : i32
    %scan3A_52 = arith.constant 1 : i32
    %scan3A_53 = scf.for %scan3A_87 = %scan3A_49 to %scan3A_51 step %scan3A_52 iter_args(%scan3A_88 = %scan3A_48) -> (i32)  : i32 {
      %mul3A_89 = arith.constant 16 : i32
      %mul3A_90 = arith.muli %scan3A_87, %mul3A_89 : i32
      %get3A = arith.index_cast %mul3A_90 : i32 to index
      %get3A_91 = tpu.vector_load %arg5[%get3A] {strides = array<i32>} : memref<512xi32, #tpu.memory_space<vmem>>, vector<16xi32>,
      %mul3A_92 = arith.constant 3 : i32
      %mul3A_93 = vector.broadcast %mul3A_92 : i32 to vector<16xi32>
      %mul3A_94 = arith.muli %get3A_91, %mul3A_93 : vector<16xi32>
      %mul3A_95 = arith.constant 16 : i32
      %mul3A_96 = arith.muli %scan3A_87, %mul3A_95 : i32
      %add3A_97 = vector.broadcast %mul3A_96 : i32 to vector<16xi32>
      %add3A_98 = arith.addi %iota3A, %add3A_97 : vector<16xi32>
      %add3A_99 = arith.constant 0 : i32
      %add3A_100 = vector.broadcast %add3A_99 : i32 to vector<16xi32>
      %add3A_101 = arith.addi %mul3A_94, %add3A_100 : vector<16xi32>
      %gather3A = tpu.vector_load_idx %arg6[%add3A_101] : memref<144xf32, #tpu.memory_space<vmem>>[vector<16xi32>], vector<16xf32>,
      tpu.vector_store_idx %arg7[%add3A_98, %broadcast_in_dim3A_16], %gather3A : memref<512x3xf32, #tpu.memory_space<vmem>>[vector<16xi32>, vector<16xi32>], vector<16xf32>,
      %add3A_102 = arith.constant 1 : i32
      %add3A_103 = vector.broadcast %add3A_102 : i32 to vector<16xi32>
      %add3A_104 = arith.addi %mul3A_94, %add3A_103 : vector<16xi32>
      %gather3A_105 = tpu.vector_load_idx %arg6[%add3A_104] : memref<144xf32, #tpu.memory_space<vmem>>[vector<16xi32>], vector<16xf32>,
      tpu.vector_store_idx %arg7[%add3A_98, %broadcast_in_dim3A_18], %gather3A_105 : memref<512x3xf32, #tpu.memory_space<vmem>>[vector<16xi32>, vector<16xi32>], vector<16xf32>,
      %add3A_106 = arith.constant 2 : i32
      %add3A_107 = vector.broadcast %add3A_106 : i32 to vector<16xi32>
      %add3A_108 = arith.addi %mul3A_94, %add3A_107 : vector<16xi32>
      %gather3A_109 = tpu.vector_load_idx %arg6[%add3A_108] : memref<144xf32, #tpu.memory_space<vmem>>[vector<16xi32>], vector<16xf32>,
      tpu.vector_store_idx %arg7[%add3A_98, %broadcast_in_dim3A_20], %gather3A_109 : memref<512x3xf32, #tpu.memory_space<vmem>>[vector<16xi32>, vector<16xi32>], vector<16xf32>,
      %scan3A_110 = arith.constant 0 : i32
      scf.yield %scan3A_110 : i32
    }
    %scan3A_54 = arith.constant 16 : i32
    %add3A_55 = arith.constant 256 : i32
    %add3A_56 = arith.addi %mul3A_2, %add3A_55 : i32
    %dma_start3A_57 = arith.constant 256 : i32
    %dma_start3A_58 = arith.constant 0 : i32
    %dma_start3A_59 = tpu.memref_slice %arg7[%dma_start3A_57, %dma_start3A_58] : memref<512x3xf32, #tpu.memory_space<vmem>> -> memref<256x3xf32, #tpu.memory_space<vmem>>
    %dma_start3A_60 = arith.constant 0 : i32
    %dma_start3A_61 = tpu.memref_slice %arg4[%add3A_56, %dma_start3A_60] : memref<16384x3xf32, #tpu.memory_space<hbm>> -> memref<256x3xf32, #tpu.memory_space<hbm>>
    %dma_start3A_62 = arith.constant 0 : i32
    %dma_start3A_63 = tpu.memref_slice %arg4[%add3A_56, %dma_start3A_62] : memref<16384x3xf32, #tpu.memory_space<hbm>> -> memref<256x3xf32, #tpu.memory_space<hbm>>
    %dma_start3A_64 = arith.constant 256 : i32
    %dma_start3A_65 = arith.constant 0 : i32
    %dma_start3A_66 = tpu.memref_slice %arg7[%dma_start3A_64, %dma_start3A_65] : memref<512x3xf32, #tpu.memory_space<vmem>> -> memref<256x3xf32, #tpu.memory_space<vmem>>
    tpu.enqueue_dma source(%dma_start3A_66 : memref<256x3xf32, #tpu.memory_space<vmem>>) target(%dma_start3A_63 : memref<256x3xf32, #tpu.memory_space<hbm>>) target_semaphore(%arg12 : memref<!tpu.dma_semaphore, #tpu.memory_space<semaphore_mem>>)
    %dma_wait3A_67 = arith.constant 0 : i32
    %dma_wait3A_68 = arith.constant 0 : i32
    %dma_wait3A_69 = tpu.memref_slice %arg7[%dma_wait3A_67, %dma_wait3A_68] : memref<512x3xf32, #tpu.memory_space<vmem>> -> memref<256x3xf32, #tpu.memory_space<vmem>>
    %dma_wait3A_70 = arith.constant 0 : i32
    %dma_wait3A_71 = tpu.memref_slice %arg4[%mul3A_2, %dma_wait3A_70] : memref<16384x3xf32, #tpu.memory_space<hbm>> -> memref<256x3xf32, #tpu.memory_space<hbm>>
    %dma_wait3A_72 = arith.constant 0 : i32
    %dma_wait3A_73 = tpu.memref_slice %arg4[%mul3A_2, %dma_wait3A_72] : memref<16384x3xf32, #tpu.memory_space<hbm>> -> memref<256x3xf32, #tpu.memory_space<hbm>>
    %dma_wait3A_74 = arith.constant 0 : i32
    %dma_wait3A_75 = arith.constant 0 : i32
    %dma_wait3A_76 = tpu.memref_slice %arg7[%dma_wait3A_74, %dma_wait3A_75] : memref<512x3xf32, #tpu.memory_space<vmem>> -> memref<256x3xf32, #tpu.memory_space<vmem>>
    tpu.wait_dma2 semaphore(%arg11 : memref<!tpu.dma_semaphore, #tpu.memory_space<semaphore_mem>>) src(%dma_wait3A_76 : memref<256x3xf32, #tpu.memory_space<vmem>>) dst(%dma_wait3A_73 : memref<256x3xf32, #tpu.memory_space<hbm>>)
    %dma_wait3A_77 = arith.constant 256 : i32
    %dma_wait3A_78 = arith.constant 0 : i32
    %dma_wait3A_79 = tpu.memref_slice %arg7[%dma_wait3A_77, %dma_wait3A_78] : memref<512x3xf32, #tpu.memory_space<vmem>> -> memref<256x3xf32, #tpu.memory_space<vmem>>
    %dma_wait3A_80 = arith.constant 0 : i32
    %dma_wait3A_81 = tpu.memref_slice %arg4[%add3A_56, %dma_wait3A_80] : memref<16384x3xf32, #tpu.memory_space<hbm>> -> memref<256x3xf32, #tpu.memory_space<hbm>>
    %dma_wait3A_82 = arith.constant 0 : i32
    %dma_wait3A_83 = tpu.memref_slice %arg4[%add3A_56, %dma_wait3A_82] : memref<16384x3xf32, #tpu.memory_space<hbm>> -> memref<256x3xf32, #tpu.memory_space<hbm>>
    %dma_wait3A_84 = arith.constant 256 : i32
    %dma_wait3A_85 = arith.constant 0 : i32
    %dma_wait3A_86 = tpu.memref_slice %arg7[%dma_wait3A_84, %dma_wait3A_85] : memref<512x3xf32, #tpu.memory_space<vmem>> -> memref<256x3xf32, #tpu.memory_space<vmem>>
    tpu.wait_dma2 semaphore(%arg12 : memref<!tpu.dma_semaphore, #tpu.memory_space<semaphore_mem>>) src(%dma_wait3A_86 : memref<256x3xf32, #tpu.memory_space<vmem>>) dst(%dma_wait3A_83 : memref<256x3xf32, #tpu.memory_space<hbm>>)
    return
  }
}

</mosaic_0001>

<sc_bundles>
// kernel: kernel.3.cloned.1.call-start
scs
__scs_entry_jumppad:
0x0: {  	(pc) =	sbr.rel $0x88, $3  }
0x1: {  	(tag) =	ssettag $0x0;
	lr =	simm.s32 $0x1  }
0x2: {  	[smem:$0x3F9F] =	sst lr;
	_ =	strace $0xD0000000  }
0x3: {  	_ = 	snop  }
0x4: {  	_ = 	snop  }
0x5: {  	_ = 	snop  }
0x6: {  	_ = 	snop  }
0x7: {  	_ = 	snop  }
__scs_overlays_trampoline_lowered:
0x8: {  	[smem:$0x3FAE] =	sst s0  }
0x9: {  	[smem:$0x3FAF] =	sst s1  }
0xa: {  	[smem:$0x3FB0] =	sst s2  }
0xb: {  	[smem:$0x3FB1] =	sst s3  }
0xc: {  	[smem:$0x3FB2] =	sst s4  }
0xd: {  	[smem:$0x3FB3] =	sst s5  }
0xe: {  	[smem:$0x3FB4] =	sst s6  }
0xf: {  	[smem:$0x3FB5] =	sst s7  }
0x10: {  	[smem:$0x3FB6] =	sst s8  }
0x11: {  	[smem:$0x3FB7] =	sst s9;
	s0 =	simm.s32 @!p0 $0x0  }
0x12: {  	s1 =	sld [smem:$0x3F9D];
	s0 =	simm.s32 @p0 $0x1  }
0x13: {  	[smem:$0x3FB8] =	sst s0;
	s0 =	simm.s32 @!p1 $0x0  }
0x14: {  	s2 =	sld [smem:$0x3F9C];
	s0 =	simm.s32 @p1 $0x1  }
0x15: {  	[smem:$0x3FB9] =	sst s0;
	s0 =	simm.s32 @!p2 $0x0  }
0x16: {  	s3 =	sld [smem:$0x3FDB];
	s0 =	simm.s32 @p2 $0x1  }
0x17: {  	s4 =	simm.s32 $0x1BF5;
	[smem:$0x3FBB] =	sst s0  }
0x18: {  	s0 =	sld [smem:$0x3F9E];
	_ =	swait.ge [sflag:s4], $0x0  }
0x19: {  	s7 =	sld [smem:$0x3F9F]  }
0x1a: {  	s8 =	sadd.s32 $0xFFFFE003, lr  }
0x1b: {  	s9 =	sadd.s32 $0xFFFFFEF7, lr;
	s5 =	simm.s32 $0xFFFFFFFF;
	p2 =	slt.u32 s8, $0xFFFFF086  }
0x1c: {  	p1 =	slt.u32 s9, $0xF7A;
	s5 =	simm.s32 @!p2 $0x0  }
0x1d: {  	s5 =	simm.s32 @p1 $0x1;
	p0 =	seq.s32 s7, s2  }
0x1e: {  	s7 =	smul.u32 @!p0 $0xF7A, s2;
	p2 =	seq.s32 @!p0 s5, $0x0  }
0x1f: {  	s9 =	smul.u32 $0xF7A, s1;
	s8 =	simm.s32 @!p0 $0x1BF5;
	p2 =	por !p2, p0  }
0x20: {  	[sflag:s8] =	ssyncset.s32 @!p0 $0xFFFFF086;
	s6 =	sadd.s32 @!p0 s3, s7;
	s7 =	simm.s32 @!p0 $0x108  }
0x21: {  	s3 =	sadd.s32 s3, s9;
	s6 =	sadd.s32 @!p0 $0x88, s6;
	s7 =	simm.s32 @p2 $0x1082  }
0x22: {  	[simem:s7], [sflag:s8] =	dma.local @!p0 [hbm:s6], $0xF7A  }
0x23: {  	s9 =	sor.u32 $0xD0000000, s2;
	s6 =	simm.s32 $0x108;
	_ =	swait.ge @!p0 [sflag:s8], $0x0  }
0x24: {  	s3 =	sadd.s32 $0x88, s3;
	s6 =	simm.s32 @!p1 $0x1082;
	[sflag:s4] =	ssyncset.s32 $0xFFFFF086  }
0x25: {  	[simem:s6], [sflag:s4] =	dma.local [hbm:s3], $0xF7A  }
0x26: {  	[smem:$0x3F9F] =	sst s1;
	(tag) =	ssettag s2;
	_ =	strace s9  }
0x27: {  	s1 =	sld [smem:$0x3FAF]  }
0x28: {  	s2 =	sld [smem:$0x3FB0]  }
0x29: {  	s4 =	sld [smem:$0x3FB2]  }
0x2a: {  	p0 =	seq.s32 s5, $0x0;
	s5 =	sld [smem:$0x3FB3]  }
0x2b: {  	s6 =	sld [smem:$0x3FB4]  }
0x2c: {  	s7 =	sld [smem:$0x3FB5]  }
0x2d: {  	s3 =	simm.s32 $0x108;
	s8 =	sld [smem:$0x3FB6]  }
0x2e: {  	s3 =	simm.s32 @!p0 $0x1082;
	s9 =	sld [smem:$0x3FB7]  }
0x2f: {  	lr =	sadd.s32 s0, s3;
	s0 =	sld [smem:$0x3FAE]  }
0x30: {  	s3 =	sld [smem:$0x3FB1]  }
0x31: {  	[smem:$0x3FBA] =	sst s10  }
0x32: {  	s10 =	sld [smem:$0x3FB8];
	_ =	sdelay $0x3  }
0x33: {  	p0 =	seq.s32 s10, $0x1;
	s10 =	sld [smem:$0x3FBA];
	_ =	sdelay $0x3  }
0x34: {  	[smem:$0x3FBA] =	sst s10  }
0x35: {  	s10 =	sld [smem:$0x3FB9];
	_ =	sdelay $0x3  }
0x36: {  	p1 =	seq.s32 s10, $0x1;
	s10 =	sld [smem:$0x3FBA];
	_ =	sdelay $0x3  }
0x37: {  	[smem:$0x3FBA] =	sst s10  }
0x38: {  	s10 =	sld [smem:$0x3FBB]  }
0x39: {  	_ = 	snop;
	(pc) =	sbr.ind lr, $3  }
0x3a: {  	_ = 	snop  }
0x3b: {  	_ = 	snop  }
0x3c: {  	p2 =	seq.s32 s10, $0x1;
	s10 =	sld [smem:$0x3FBA]  }
0x3d: {  	_ =	shalt  }
0x3e: {  	_ =	shalt  }
0x3f: {  	_ =	shalt  }
0x40: {  	_ =	shalt  }
0x41: {  	_ =	shalt  }
0x42: {  	_ =	shalt  }
0x43: {  	_ =	shalt  }
0x44: {  	_ =	shalt  }
0x45: {  	_ =	shalt  }
0x46: {  	_ =	shalt  }
0x47: {  	_ =	shalt  }
0x48: {  	_ =	shalt  }
0x49: {  	_ =	shalt  }
0x4a: {  	_ =	shalt  }
0x4b: {  	_ =	shalt  }
0x4c: {  	_ =	shalt  }
0x4d: {  	_ =	shalt  }
0x4e: {  	_ =	shalt  }
0x4f: {  	_ =	shalt  }
0x50: {  	_ =	shalt  }
0x51: {  	_ =	shalt  }
0x52: {  	_ =	shalt  }
0x53: {  	_ =	shalt  }
0x54: {  	_ =	shalt  }
0x55: {  	_ =	shalt  }
0x56: {  	_ =	shalt  }
0x57: {  	_ =	shalt  }
0x58: {  	_ =	shalt  }
0x59: {  	_ =	shalt  }
0x5a: {  	_ =	shalt  }
0x5b: {  	_ =	shalt  }
0x5c: {  	_ =	shalt  }
0x5d: {  	_ =	shalt  }
0x5e: {  	_ =	shalt  }
0x5f: {  	_ =	shalt  }
0x60: {  	_ =	shalt  }
0x61: {  	_ =	shalt  }
0x62: {  	_ =	shalt  }
0x63: {  	_ =	shalt  }
0x64: {  	_ =	shalt  }
0x65: {  	_ =	shalt  }
0x66: {  	_ =	shalt  }
0x67: {  	_ =	shalt  }
0x68: {  	_ =	shalt  }
0x69: {  	_ =	shalt  }
0x6a: {  	_ =	shalt  }
0x6b: {  	_ =	shalt  }
0x6c: {  	_ =	shalt  }
0x6d: {  	_ =	shalt  }
0x6e: {  	_ =	shalt  }
0x6f: {  	_ =	shalt  }
0x70: {  	_ =	shalt  }
0x71: {  	_ =	shalt  }
0x72: {  	_ =	shalt  }
0x73: {  	_ =	shalt  }
0x74: {  	_ =	shalt  }
0x75: {  	_ =	shalt  }
0x76: {  	_ =	shalt  }
0x77: {  	_ =	shalt  }
0x78: {  	_ =	shalt  }
0x79: {  	_ =	shalt  }
0x7a: {  	_ =	shalt  }
0x7b: {  	_ =	shalt  }
0x7c: {  	_ =	shalt  }
0x7d: {  	_ =	shalt  }
0x7e: {  	_ =	shalt  }
0x7f: {  	_ =	shalt  }
0x80: {  	_ =	shalt  }
0x81: {  	_ =	shalt  }
0x82: {  	_ =	shalt  }
0x83: {  	_ =	shalt  }
0x84: {  	_ =	shalt  }
0x85: {  	_ =	shalt  }
0x86: {  	_ =	shalt  }
0x87: {  	_ =	shalt  }
.Lfunc_end0:
.L_simem_size_0:
called_computation_lowered:
.L_overlay_start_0:
0x88: {  	s2 =	sld [smem:$0x3FD9]  }
0x89: {  	s3 =	sld [smem:$0x3FFE];
	_ =	sdelay $0x1  }
0x8a: {  	s1 =	srdreg.scid  }
0x8b: {  	s0 =	sand.u32 $0x1, s1  }
0x8c: {  	s17 =	sshll.u32 s0, $0xA;
	s2 =	sadd.s32 s3, s2  }
0x8d: {  	s2 =	sadd.s32 s2, s17  }
0x8e: {  	[smem:$0x3FC6] =	sst s2  }
0x8f: {  	_ = 	snop  }
0x90: {  	s2 =	sld [smem:$0x3FC9]  }
0x91: {  	s18 =	sld [smem:$0x3FD0];
	(tm) =	ssettm $0x1  }
0x92: {  	s4 =	sld [smem:$0x3FFB];
	_ =	sdelay $0x3  }
0x93: {  	_ =	strace s4  }
0x94: {  	s4 =	sld [smem:$0x3FFC];
	_ =	sdelay $0x3  }
0x95: {  	_ =	strace s4  }
0x96: {  	s4 =	sld [smem:$0x3FFD];
	_ =	sdelay $0x3  }
0x97: {  	_ =	strace s4  }
0x98: {  	_ =	strace $0x8FFFFFFF  }
0x99: {  	s19 =	sld [smem:$0x3FDB];
	_ =	sdelay $0x1  }
0x9a: {  	s5 =	simm.s32 $_scs_section_size  }
0x9b: {  	s6 =	simm.s32 $_size__tile_overlayer_lowered;
	s7 =	simm.s32 $_tile_overlayer_lowered  }
0x9c: {  	s22 =	simm.s32 $0x1BFF;
	s21 =	sshll.u32 s7, $0x1;
	s4 =	sadd.s32 s5, s19  }
0x9d: {  	s8 =	simm.s32 $0x0;
	s20 =	sshll.u32 s6, $0x1;
	s6 =	sadd.s32 s21, s4  }
0x9e: {  	[timem:s8], [sflag:s22] =	dma.local [hbm:s6], s20  }
0x9f: {  	_ =	swait.ge [sflag:s22], s20  }
0xa0: {  	s5 =	ssub.s32 $0x0, s20;
	[sflag:s22] =	ssyncset.done $0x0  }
0xa1: {  	[sflag:s22] =	ssyncadd.s32 s5;
	_ =	sdelay $0x1  }
0xa2: {  	s23 =	simm.s32 $0x1B8B  }
0xa3: {  	_ =	swait.ge [sflag:s23], $0x1  }
0xa4: {  	[sflag:s23] =	ssyncset.done $0x0  }
0xa5: {  	s25 =	simm.s32 $0x1B8E;
	s24 =	sld [smem:$0x3FFE];
	[sflag:s23] =	ssyncadd.s32 $0xFFFFFFFF  }
0xa6: {  	s26 =	simm.s32 $execute0_lowered;
	[smem:$0x3FD2] =	sst s25  }
0xa7: {  	s6 =	sshll.u32 s26, $0x1;
	_ =	strace $0x80000046;
	[dreg:$0x1] =	wrdreg $0xFFFFFFFF  }
0xa8: {  	s28 =	simm.s32 $_size_execute0_lowered;
	s4 =	sadd.s32 s4, s6;
	[dreg:$0x0] =	wrdreg $0x0  }
0xa9: {  	s6 =	sshll.u32 s28, $0x1;
	[dreg:$0x2] =	wrdreg s4  }
0xaa: {  	[dreg:$0x3] =	wrdreg s6  }
0xab: {  	[dreg:$0x4] =	wrdreg $0xC0  }
0xac: {  	_ =	task [dreg:s8], $0x5FFFF  }
0xad: {  	[dreg:$0x1] =	wrdreg $0xFFFFFFFF  }
0xae: {  	[dreg:$0x0] =	wrdreg $0x60  }
0xaf: {  	[dreg:$0x2] =	wrdreg s2  }
0xb0: {  	[dreg:$0x3] =	wrdreg s18  }
0xb1: {  	[dreg:$0x4] =	wrdreg s24  }
0xb2: {  	[dreg:$0x5] =	wrdreg $0x9  }
0xb3: {  	_ =	task.clear_ibuf [dreg:s8], $0x6FFFF;
	_ =	strace $0x90000046  }
0xb4: {  	s29 =	simm.s32 $0x9;
	_ =	strace $0x80000048  }
0xb5: {  	_ =	swait.ge [sflag:s29], $0x1  }
0xb6: {  	[sflag:s29] =	ssyncadd.s32 $0xFFFFFFFF  }
0xb7: {  	_ =	strace $0x90000048  }
0xb8: {  	_ =	sfence  }
0xb9: {  	s30 =	sld [smem:$0x0];
	_ =	sdelay $0x2  }
0xba: {  	s31 =	sshll.u32 s1, $0xD;
	s1 =	sshrl.u32 s1, $0x2  }
0xbb: {  	s3 =	sand.u32 $0x4000, s31;
	s1 =	sadd.s32 s1, s30  }
0xbc: {  	s0 =	sor.u32 s3, s0;
	s1 =	sshll.u32 s1, $0x11  }
0xbd: {  	s0 =	sor.u32 s1, s0  }
0xbe: {  	s0 =	sadd.s32 $0x8F2B, s0  }
0xbf: {  	[sflag:s0] =	ssyncadd.remote.s32 $0x1  }
0xc0: {  	_ =	sfence.sel $0xFFFF  }
0xc1: {  	[dreg:$0x0] =	wrdreg $0xFFFFFFFF;
	(pc) =	sbr.abs _section_cstart, $3  }
0xc2: {  	[dreg:$0x1] =	wrdreg $0xFFFFFFFF  }
0xc3: {  	_ =	task.clear_ibuf [dreg:s8], $0x2FFFF;
	_ =	strace $0x9FFFFFFF  }
0xc4: {  	(tm) =	ssettm $0x7FFFFFFF  }
0xc5: {  	_ =	shalt  }
tec
execute0_lowered:
.L_overlay_start_1:
0x0: {  	(tag) =	ssettag $0x1  }
0x1: {  	s5 =	rddreg [dreg:$0x0]  }
0x2: {  	s1 =	rddreg [dreg:$0x1]  }
0x3: {  	s4 =	rddreg [dreg:$0x2]  }
0x4: {  	s0 =	rddreg [dreg:$0x3]  }
0x5: {  	s3 =	simm.s32 $0x0;
	s6 =	srdreg.scid;
	s2 =	stileid.u32  }
0x6: {  	s11 =	simm.s32 $0x1;
	s12 =	simm.s32 $0x2;
	s13 =	simm.s32 $0x300  }
0x7: {  	s14 =	simm.s32 $0x3;
	s15 =	simm.s32 $0x8300;
	s16 =	simm.s32 $0x4  }
0x8: {  	s17 =	simm.s32 $0x5;
	s18 =	simm.s32 $0x0;
	s6 =	sand.u32 $0x1, s6  }
0x9: {  	[smem:$0x7FF] =	sst s3;
	s8 =	sshll.u32 s2, $0xA;
	s7 =	ssub.s32 $0x2, s6  }
0xa: {  	s9 =	sadd.s32 $0x400, s4;
	s6 =	sshll.u32 s6, $0x9;
	s28 =	sshrl.u32 s7, $0x1  }
0xb: {  	_ =	strace $0x80000047;
	s6 =	sor.u32 s6, s8;
	s29 =	ssub.s32 s7, s28  }
0xc: {  	s30 =	sshrl.u32 s6, $0x3;
	s31 =	sor.u32 $0x100, s6;
	s6 =	sshll.u32 s6, $0x4  }
0xd: {  	s4 =	sadd.s32 s5, s30;
	s10 =	sshrl.u32 s31, $0x3;
	s6 =	sadd.s32 s9, s6  }
0xe: {  	v0 =	vlaneseq.u32;
	s7 =	sshll.u32 s31, $0x4;
	s8 =	smax.u32 s29, $0x1;
	s5 =	sadd.s32 s5, s10  }
0xf: {  	v0 =	vmul.u32 $0x80, v0;
	s7 =	sadd.s32 s9, s7;
	s9 =	simm.s32 $0x200;
	s10 =	simm.s32 $0x100  }
.LBB2_1:
0x10: {  	[tilespmem:s9], [sflag:$0x1] =	stream.linear.gather [hbm4b:s1+s3], $0x100, $0x38;
	[tilespmem:$0x10300] =	vst v63  }
0x11: {  	_ = 	snop  }
0x12: {  	[tilespmem:s3], [sflag:$0x2] =	stream.linear.gather [hbm4b:s4+s3], $0x100, $0x38;
	[tilespmem:$0x10300] =	vst v63  }
0x13: {  	_ = 	snop  }
0x14: {  	[tilespmem:s10], [sflag:$0x3] =	stream.linear.gather [hbm4b:s5+s3], $0x100, $0x38;
	[tilespmem:$0x10300] =	vst v63  }
0x15: {  	_ =	swait.ge [sflag:s11], $0x100  }
0x16: {  	[sflag:s11] =	ssyncset.done $0x0  }
0x17: {  	[sflag:s11] =	ssyncadd.s32 $0xFFFFFF00  }
0x18: {  	_ =	swait.ge [sflag:s12], $0x100  }
0x19: {  	[sflag:s12] =	ssyncset.done $0x0  }
0x1a: {  	[sflag:s12] =	ssyncadd.s32 $0xFFFFFF00  }
0x1b: {  	v1 =	vld [tilespmem:s3+$0x0];
	_ =	sdelay $0x4  }
0x1c: {  	v1 =	vmul.u32 $0x3, v1;
	_ =	sdelay $0x3  }
0x1d: {  	v2 =	vmov s3  }
0x1e: {  	v2 =	vshll.u32 v2, $0x7  }
0x1f: {  	v2 =	vor.u32 v0, v2;
	v3 =	vld.idx.msk [tilespmem:v1+s9+$0x0], $0xffff  }
0x20: {  	v4 =	vadd.s32 $0x1, v1;
	_ =	sdelay $0x3  }
0x21: {  	[tilespmem:v2+s13+$0x0] =	vst.idx.msk $0xffff, v3  }
0x22: {  	v63 =	vor.u32 $0x1, v2;
	v3 =	vld.idx.msk [tilespmem:v4+s9+$0x0], $0xffff  }
0x23: {  	v1 =	vadd.s32 $0x2, v1;
	_ =	sdelay $0x3  }
0x24: {  	[tilespmem:v63+s13+$0x0] =	vst.idx.msk $0xffff, v3  }
0x25: {  	s19 =	simm.s32 $0x10;
	s20 =	simm.s32 $0x0;
	v2 =	vor.u32 $0x2, v2;
	v1 =	vld.idx.msk [tilespmem:v1+s9+$0x0], $0xffff  }
.LBB2_2:
0x26: {  	_ =	sdelay $0x2  }
0x27: {  	p0 =	sne.s32 s19, $0xF0  }
0x28: {  	s20 =	sadd.s32 $0x10, s20;
	s21 =	smov.u32 s19;
	s19 =	sadd.s32 $0x10, s19;
	[tilespmem:v2+s13+$0x0] =	vst.idx.msk $0xffff, v1  }
0x29: {  	v1 =	vld [tilespmem:s20+$0x0];
	_ =	sdelay $0x4  }
0x2a: {  	v1 =	vmul.u32 $0x3, v1;
	_ =	sdelay $0x4  }
0x2b: {  	v2 =	vmov s21  }
0x2c: {  	v2 =	vshll.u32 v2, $0x7;
	v3 =	vld.idx.msk [tilespmem:v1+s9+$0x0], $0xffff  }
0x2d: {  	v2 =	vor.u32 v0, v2  }
0x2e: {  	v4 =	vadd.s32 $0x1, v1;
	_ =	sdelay $0x3  }
0x2f: {  	[tilespmem:v2+s13+$0x0] =	vst.idx.msk $0xffff, v3  }
0x30: {  	v3 =	vld.idx.msk [tilespmem:v4+s9+$0x0], $0xffff  }
0x31: {  	v4 =	vor.u32 $0x1, v2  }
0x32: {  	v1 =	vadd.s32 $0x2, v1;
	_ =	sdelay $0x1  }
.Ltmp0:
0x33: {  	(pc) =	sbr.rel @p0 .LBB2_2-.Ltmp0, $4  }
0x34: {  	_ = 	snop  }
0x35: {  	[tilespmem:v4+s13+$0x0] =	vst.idx.msk $0xffff, v3  }
0x36: {  	v1 =	vld.idx.msk [tilespmem:v1+s9+$0x0], $0xffff  }
0x37: {  	v2 =	vor.u32 $0x2, v2  }
0x38: {  	_ =	sdelay $0x3  }
0x39: {  	[tilespmem:v2+s13+$0x0] =	vst.idx.msk $0xffff, v1  }
0x3a: {  	[hbm4b:s6+s3] =	stream.linear.scatter [tilespmem:s13], [sflag:$0x4], $0x8000, $0x38;
	[tilespmem:$0x10300] =	vst v63  }
0x3b: {  	_ =	swait.ge [sflag:s14], $0x100  }
0x3c: {  	[sflag:s14] =	ssyncset.done $0x0  }
0x3d: {  	s19 =	simm.s32 $0x100;
	[sflag:s14] =	ssyncadd.s32 $0xFFFFFF00  }
0x3e: {  	v1 =	vld [tilespmem:s19+$0x0];
	_ =	sdelay $0x4  }
0x3f: {  	v1 =	vmul.u32 $0x3, v1;
	_ =	sdelay $0x3  }
0x40: {  	v2 =	vmov s19  }
0x41: {  	v2 =	vshll.u32 v2, $0x7  }
0x42: {  	v2 =	vor.u32 v0, v2;
	v3 =	vld.idx.msk [tilespmem:v1+s9+$0x0], $0xffff  }
0x43: {  	v4 =	vadd.s32 $0x1, v1;
	_ =	sdelay $0x3  }
0x44: {  	[tilespmem:v2+s13+$0x0] =	vst.idx.msk $0xffff, v3  }
0x45: {  	v63 =	vor.u32 $0x1, v2;
	v3 =	vld.idx.msk [tilespmem:v4+s9+$0x0], $0xffff  }
0x46: {  	v1 =	vadd.s32 $0x2, v1;
	_ =	sdelay $0x3  }
0x47: {  	[tilespmem:v63+s13+$0x0] =	vst.idx.msk $0xffff, v3  }
0x48: {  	s20 =	simm.s32 $0x110;
	v2 =	vor.u32 $0x2, v2;
	v1 =	vld.idx.msk [tilespmem:v1+s9+$0x0], $0xffff  }
.LBB2_4:
0x49: {  	_ =	sdelay $0x2  }
0x4a: {  	p0 =	sne.s32 s20, $0x1F0  }
0x4b: {  	s19 =	sadd.s32 $0x10, s19;
	s21 =	smov.u32 s20;
	s20 =	sadd.s32 $0x10, s20;
	[tilespmem:v2+s13+$0x0] =	vst.idx.msk $0xffff, v1  }
0x4c: {  	v1 =	vld [tilespmem:s19+$0x0];
	_ =	sdelay $0x4  }
0x4d: {  	v1 =	vmul.u32 $0x3, v1;
	_ =	sdelay $0x4  }
0x4e: {  	v2 =	vmov s21  }
0x4f: {  	v2 =	vshll.u32 v2, $0x7;
	v3 =	vld.idx.msk [tilespmem:v1+s9+$0x0], $0xffff  }
0x50: {  	v2 =	vor.u32 v0, v2  }
0x51: {  	v4 =	vadd.s32 $0x1, v1;
	_ =	sdelay $0x3  }
0x52: {  	[tilespmem:v2+s13+$0x0] =	vst.idx.msk $0xffff, v3  }
0x53: {  	v3 =	vld.idx.msk [tilespmem:v4+s9+$0x0], $0xffff  }
0x54: {  	v4 =	vor.u32 $0x1, v2  }
0x55: {  	v1 =	vadd.s32 $0x2, v1;
	_ =	sdelay $0x1  }
.Ltmp1:
0x56: {  	(pc) =	sbr.rel @p0 .LBB2_4-.Ltmp1, $4  }
0x57: {  	_ = 	snop  }
0x58: {  	[tilespmem:v4+s13+$0x0] =	vst.idx.msk $0xffff, v3  }
0x59: {  	v1 =	vld.idx.msk [tilespmem:v1+s9+$0x0], $0xffff  }
0x5a: {  	v2 =	vor.u32 $0x2, v2  }
0x5b: {  	_ =	sdelay $0x3  }
0x5c: {  	s18 =	sadd.s32 $0x1, s18;
	[tilespmem:v2+s13+$0x0] =	vst.idx.msk $0xffff, v1  }
0x5d: {  	[hbm4b:s7+s3] =	stream.linear.scatter [tilespmem:s15], [sflag:$0x5], $0x8000, $0x38;
	[tilespmem:$0x10300] =	vst v63  }
0x5e: {  	p0 =	sne.s32 s18, s8;
	_ =	swait.ge [sflag:s16], $0x8000  }
.Ltmp2:
0x5f: {  	[sflag:s16] =	ssyncset.done $0x0;
	(pc) =	sbr.rel @p0 .LBB2_1-.Ltmp2, $4  }
0x60: {  	[sflag:s16] =	ssyncadd.s32 $0xFFFF8000  }
0x61: {  	_ =	swait.ge [sflag:s17], $0x8000  }
0x62: {  	[sflag:s17] =	ssyncset.done $0x0  }
0x63: {  	[sflag:s17] =	ssyncadd.s32 $0xFFFF8000  }
0x64: {  	_ =	sfence.sel $0x180000  }
0x65: {  	[bflag:$0x0] =	sbarrier.arrive $0xFFFF  }
0x66: {  	p0 =	sne.s32 s2, $0x0;
	_ =	strace $0x90000047  }
0x67: {  	s0 =	sadd.s32 @!p0 $0x100000, s0;
	[bflag:$0x2] =	sbarrier.arrive $0xFFFF  }
0x68: {  	[sflag:s0] =	ssyncadd.tile.s32 @!p0 $0x1;
	_ =	shalt  }
.Lfunc_end2:
_tile_overlayer_lowered:
.L_overlay_start_2:
0x69: {  	(tag) =	ssettag $0x2  }
0x6a: {  	s0 =	rddreg [dreg:$0x0];
	s2 =	stileid.u32  }
0x6b: {  	s1 =	rddreg [dreg:$0x1];
	p0 =	sne.s32 s2, $0x0  }
0x6c: {  	s3 =	rddreg [dreg:$0x2];
	[bflag:$0x3] =	sbarrier.arrive $0xFFFF;
	s2 =	simm.s32 @!p0 $0x1C06  }
0x6d: {  	[timem:s3], [sflag:s2] =	dma.local @!p0 [hbm:s0], s1  }
0x6e: {  	s0 =	simm.s32 @!p0 $0x6  }
0x6f: {  	_ =	swait.ge @!p0 [sflag:s0], s1  }
0x70: {  	s1 =	ssub.s32 @!p0 $0x0, s1;
	[sflag:s0] =	ssyncset.done @!p0 $0x0  }
0x71: {  	[sflag:s0] =	ssyncadd.s32 @!p0 s1  }
0x72: {  	[bflag:$0x3] =	sbarrier.arrive $0xFFFF  }
0x73: {  	_ =	shalt  }

</sc_bundles>
